<compile_context>
chip_gen: v7x
topology: tpu7x:2x2x1
jax: 0.10.2.dev20260603
libtpu: 0.0.44.dev20260713+nightly
codegen_flags: <defaults>
</compile_context>

<pallas_src>
import functools

import jax
import jax.numpy as jnp
from jax import lax
from jax.experimental import pallas as pl
from jax.experimental.pallas import tpu as pltpu
from jax.experimental.pallas import tpu_sc as plsc


def _ei_sc_body(n, chunk, unroll, out_ref, sbuf, dbuf):
    info = plsc.get_sparse_core_info()
    wid = lax.axis_index("s") * info.num_cores + lax.axis_index("c")
    base = wid * chunk
    shift = int(n).bit_length() - 1
    mask = n - 1
    iota = lax.iota(jnp.int32, 16)

    def body(o, carry):
        for u in range(unroll):
            off = o * (16 * unroll) + u * 16
            e16 = iota + (base + off)
            sbuf[pl.ds(off, 16)] = lax.shift_right_logical(e16, shift) & mask
            dbuf[pl.ds(off, 16)] = e16 & mask
        return carry

    lax.fori_loop(0, chunk // (16 * unroll), body, 0)
    pltpu.sync_copy(sbuf, out_ref.at[0, pl.ds(base, chunk)])
    pltpu.sync_copy(dbuf, out_ref.at[1, pl.ds(base, chunk)])


def _edge_index_sc(num_e, n):
    info = plsc.get_sparse_core_info()
    nw = info.num_cores * info.num_subcores
    chunk = num_e // nw
    mesh = plsc.VectorSubcoreMesh(core_axis_name="c", subcore_axis_name="s")
    fn = pl.kernel(
        functools.partial(_ei_sc_body, n, chunk, 8),
        out_type=jax.ShapeDtypeStruct((2, num_e), jnp.int32),
        mesh=mesh,
        scratch_types=[
            pltpu.VMEM((chunk,), jnp.int32),
            pltpu.VMEM((chunk,), jnp.int32),
        ],
    )
    return fn()


def _gat_tile_kernel(b, tile, data0_ref, d0tile_ref, adj_ref, w_ref, we_ref,
                     asrc_ref, adst_ref, aedge_ref, bias_ref, xout_ref,
                     att_ref):
    n, c = data0_ref.shape[0], w_ref.shape[1]

    h0 = jnp.dot(data0_ref[...], w_ref[...], preferred_element_type=jnp.float32)
    a_src = jnp.dot(h0, asrc_ref[...], preferred_element_type=jnp.float32)
    h_tile = jnp.dot(d0tile_ref[...], w_ref[...],
                     preferred_element_type=jnp.float32)
    a_dst = lax.dot_general(adst_ref[...], h_tile, (((1,), (1,)), ((), ())),
                            preferred_element_type=jnp.float32)
    k = jnp.sum(we_ref[...] * aedge_ref[...])

    alpha = a_src + a_dst + k * adj_ref[...]
    alpha = jnp.where(alpha >= 0.0, alpha, 0.2 * alpha)

    m = jnp.max(alpha, axis=0, keepdims=True)
    e = jnp.exp(alpha - m)
    s = jnp.sum(e, axis=0, keepdims=True)
    att = e / (b * s + 1e-16)

    out = b * lax.dot_general(att, h0, (((0,), (0,)), ((), ())),
                              preferred_element_type=jnp.float32)

    xout_ref[0] = out + bias_ref[...]
    bias_tile = jnp.broadcast_to(bias_ref[...], (tile, c))
    for t in range(1, b):
        xout_ref[t] = bias_tile

    att_ref[...] = att


def kernel(data, adj, W, W_edge, att_src, att_dst, att_edge, bias):
    b, n, f = data.shape
    c = W.shape[1]
    tile = 256
    grid = (n // tile,)
    num_e = b * n * n

    edge_index = _edge_index_sc(num_e, n)

    body = functools.partial(_gat_tile_kernel, b, tile)
    x_out, att1 = pl.pallas_call(
        body,
        grid=grid,
        in_specs=[
            pl.BlockSpec((n, f), lambda j: (0, 0)),
            pl.BlockSpec((tile, f), lambda j: (j, 0)),
            pl.BlockSpec((n, tile), lambda j: (0, j)),
            pl.BlockSpec((f, c), lambda j: (0, 0)),
            pl.BlockSpec((1, c), lambda j: (0, 0)),
            pl.BlockSpec((c, 1), lambda j: (0, 0)),
            pl.BlockSpec((1, c), lambda j: (0, 0)),
            pl.BlockSpec((1, c), lambda j: (0, 0)),
            pl.BlockSpec((1, c), lambda j: (0, 0)),
        ],
        out_specs=[
            pl.BlockSpec((b, tile, c), lambda j: (0, j, 0)),
            pl.BlockSpec((n, tile), lambda j: (0, j)),
        ],
        out_shape=[
            jax.ShapeDtypeStruct((b, n, c), jnp.float32),
            jax.ShapeDtypeStruct((n, n), jnp.float32),
        ],
        compiler_params=pltpu.CompilerParams(
            dimension_semantics=("arbitrary",)),
    )(
        data[0],
        data[0],
        adj,
        W,
        W_edge,
        att_src.reshape(c, 1),
        att_dst.reshape(1, c),
        att_edge.reshape(1, c),
        bias.reshape(1, c),
    )

    att = jnp.broadcast_to(att1[None], (b, n, n)).reshape(b * n * n)
    return x_out, edge_index, att

# --- scband reference (transcript-rebuilt; emitter-appended) ---
"""Pipeline reference for scband-gat-57775900066538 (READ-ONLY COPY).

The authoritative reference and input builder live on the scoring server;
editing this copy changes nothing except your own understanding.
"""

import jax, jax.numpy as jnp
import numpy as np

B, N, F_IN, C = 4, 512, 64, 64


def setup_inputs(seed: int = 0) -> dict:
    key = jax.random.key(seed)
    ks = jax.random.split(key, 8)
    data = jax.random.normal(ks[0], (B, N, F_IN), dtype=jnp.float32)
    # strictly positive so nnz == N*N deterministically (mirrors dense->coo conversion)
    adj = jax.random.uniform(ks[1], (N, N), dtype=jnp.float32, minval=0.01, maxval=1.0)
    W = jax.random.normal(ks[2], (F_IN, C), dtype=jnp.float32) * (1.0 / np.sqrt(F_IN))
    W_edge = jax.random.normal(ks[3], (1, C), dtype=jnp.float32)
    att_src = jax.random.normal(ks[4], (C,), dtype=jnp.float32) * (1.0 / np.sqrt(C))
    att_dst = jax.random.normal(ks[5], (C,), dtype=jnp.float32) * (1.0 / np.sqrt(C))
    att_edge = jax.random.normal(ks[6], (C,), dtype=jnp.float32) * (1.0 / np.sqrt(C))
    bias = jnp.zeros((C,), dtype=jnp.float32)
    return {"data": data, "adj": adj, "W": W, "W_edge": W_edge,
            "att_src": att_src, "att_dst": att_dst, "att_edge": att_edge, "bias": bias}


def reference(data, adj, W, W_edge, att_src, att_dst, att_edge, bias):
    b, n, f = data.shape
    c = W.shape[1]
    # convert_adj_sparse: scipy coo (row-major nonzero order); adj is strictly
    # positive by construction, so nonzero indices are all (i, j) in row-major order
    n_row, n_col = adj.shape
    row = jnp.repeat(jnp.arange(n_row), n_col)
    col = jnp.tile(jnp.arange(n_col), n_row)
    edge_attr = adj[row, col]
    # NOTE: original code tiles edge_index WITHOUT per-batch node offsets (faithful repro)
    src = jnp.tile(row, b)
    dst = jnp.tile(col, b)
    ea = jnp.tile(edge_attr, b)
    x = data.reshape(b * n, f)
    h = x @ W  # lin projection, heads=1
    a_src = h @ att_src  # [b*n]
    a_dst = h @ att_dst
    ef = ea[:, None] @ W_edge  # [E,1]@[1,C] -> [E,C]
    a_edge = ef @ att_edge  # [E]
    alpha = a_src[src] + a_dst[dst] + a_edge
    alpha = jax.nn.leaky_relu(alpha, 0.2)
    num = b * n
    m = jax.ops.segment_max(alpha, dst, num_segments=num)
    m = jnp.where(jnp.isfinite(m), m, 0.0)
    e = jnp.exp(alpha - m[dst])
    s = jax.ops.segment_sum(e, dst, num_segments=num)
    att = e / (s[dst] + 1e-16)  # PyG segment softmax
    out = jax.ops.segment_sum(h[src] * att[:, None], dst, num_segments=num)
    out = out + bias
    x_out = out.reshape(b, n, c)
    edge_index = jnp.stack([src, dst])
    return x_out, edge_index, att

if __name__ == "__main__":
    import jax
    _d = setup_inputs()
    print(jax.jit(kernel)(*tuple(_d.values())))

</pallas_src>

<mosaic_0001>
#map = affine_map<(d0, d1) -> (0, 0)>
module attributes {stable_mosaic.version = 14 : i64} {
  func.func @_ei_sc_body(%arg0: i32, %arg1: i32, %arg2: memref<2x1048576xi32, #tpu.memory_space<hbm>>, %arg3: memref<32768xi32, #tpu.memory_space<vmem>>, %arg4: memref<32768xi32, #tpu.memory_space<vmem>>) attributes {dimension_semantics = [#tpu.dimension_semantics<core_parallel>, #tpu.dimension_semantics<subcore_parallel>], iteration_bounds = array<i64: 2, 16>, scalar_prefetch = 0 : i64, scratch_operands = 2 : i64, tpu.core_type = #tpu.core_type<sc_vector_subcore>, window_params = [{transform_indices = #map}]} {
    %mul3A = arith.constant 2 : i32
    %mul3A_0 = arith.muli %arg1, %mul3A : i32
    %add3A = arith.addi %mul3A_0, %arg0 : i32
    %mul3A_1 = arith.constant 32768 : i32
    %mul3A_2 = arith.muli %add3A, %mul3A_1 : i32
    %iota3A = tpu.iota {dimensions = array<i32: 0>} : vector<16xi32>
    %scan3A = arith.constant 0 : i32
    %scan3A_3 = arith.constant 0 : i32
    %scan3A_4 = arith.constant 256 : i32
    %scan3A_5 = arith.addi %scan3A_3, %scan3A_4 : i32
    %scan3A_6 = arith.constant 1 : i32
    scf.for %scan3A_9 = %scan3A_3 to %scan3A_5 step %scan3A_6  : i32 {
      %mul3A_10 = arith.constant 128 : i32
      %mul3A_11 = arith.muli %scan3A_9, %mul3A_10 : i32
      %add3A_12 = arith.constant 0 : i32
      %add3A_13 = arith.addi %mul3A_11, %add3A_12 : i32
      %add3A_14 = arith.addi %mul3A_2, %add3A_13 : i32
      %add3A_15 = vector.broadcast %add3A_14 : i32 to vector<16xi32>
      %add3A_16 = arith.addi %iota3A, %add3A_15 : vector<16xi32>
      %shift_right_logical3A = arith.constant 9 : i32
      %shift_right_logical3A_17 = vector.broadcast %shift_right_logical3A : i32 to vector<16xi32>
      %shift_right_logical3A_18 = arith.shrui %add3A_16, %shift_right_logical3A_17 : vector<16xi32>
      %and3A = arith.constant 511 : i32
      %and3A_19 = vector.broadcast %and3A : i32 to vector<16xi32>
      %and3A_20 = arith.andi %shift_right_logical3A_18, %and3A_19 : vector<16xi32>
      %swap3A = arith.index_cast %add3A_13 : i32 to index
      %swap3A_21 = tpu.vector_load %arg3[%swap3A] {strides = array<i32>} : memref<32768xi32, #tpu.memory_space<vmem>>, vector<16xi32>,
      %swap3A_22 = vector.shape_cast %swap3A_21 : vector<16xi32> to vector<16xi32>
      %swap3A_23 = vector.shape_cast %and3A_20 : vector<16xi32> to vector<16xi32>
      tpu.vector_store %arg3[%swap3A], %swap3A_23 {strides = array<i32>} : memref<32768xi32, #tpu.memory_space<vmem>>, vector<16xi32>,
      %and3A_24 = arith.constant 511 : i32
      %and3A_25 = vector.broadcast %and3A_24 : i32 to vector<16xi32>
      %and3A_26 = arith.andi %add3A_16, %and3A_25 : vector<16xi32>
      %swap3A_27 = arith.index_cast %add3A_13 : i32 to index
      %swap3A_28 = tpu.vector_load %arg4[%swap3A_27] {strides = array<i32>} : memref<32768xi32, #tpu.memory_space<vmem>>, vector<16xi32>,
      %swap3A_29 = vector.shape_cast %swap3A_28 : vector<16xi32> to vector<16xi32>
      %swap3A_30 = vector.shape_cast %and3A_26 : vector<16xi32> to vector<16xi32>
      tpu.vector_store %arg4[%swap3A_27], %swap3A_30 {strides = array<i32>} : memref<32768xi32, #tpu.memory_space<vmem>>, vector<16xi32>,
      %mul3A_31 = arith.constant 128 : i32
      %mul3A_32 = arith.muli %scan3A_9, %mul3A_31 : i32
      %add3A_33 = arith.constant 16 : i32
      %add3A_34 = arith.addi %mul3A_32, %add3A_33 : i32
      %add3A_35 = arith.addi %mul3A_2, %add3A_34 : i32
      %add3A_36 = vector.broadcast %add3A_35 : i32 to vector<16xi32>
      %add3A_37 = arith.addi %iota3A, %add3A_36 : vector<16xi32>
      %shift_right_logical3A_38 = arith.constant 9 : i32
      %shift_right_logical3A_39 = vector.broadcast %shift_right_logical3A_38 : i32 to vector<16xi32>
      %shift_right_logical3A_40 = arith.shrui %add3A_37, %shift_right_logical3A_39 : vector<16xi32>
      %and3A_41 = arith.constant 511 : i32
      %and3A_42 = vector.broadcast %and3A_41 : i32 to vector<16xi32>
      %and3A_43 = arith.andi %shift_right_logical3A_40, %and3A_42 : vector<16xi32>
      %swap3A_44 = arith.index_cast %add3A_34 : i32 to index
      %swap3A_45 = tpu.vector_load %arg3[%swap3A_44] {strides = array<i32>} : memref<32768xi32, #tpu.memory_space<vmem>>, vector<16xi32>,
      %swap3A_46 = vector.shape_cast %swap3A_45 : vector<16xi32> to vector<16xi32>
      %swap3A_47 = vector.shape_cast %and3A_43 : vector<16xi32> to vector<16xi32>
      tpu.vector_store %arg3[%swap3A_44], %swap3A_47 {strides = array<i32>} : memref<32768xi32, #tpu.memory_space<vmem>>, vector<16xi32>,
      %and3A_48 = arith.constant 511 : i32
      %and3A_49 = vector.broadcast %and3A_48 : i32 to vector<16xi32>
      %and3A_50 = arith.andi %add3A_37, %and3A_49 : vector<16xi32>
      %swap3A_51 = arith.index_cast %add3A_34 : i32 to index
      %swap3A_52 = tpu.vector_load %arg4[%swap3A_51] {strides = array<i32>} : memref<32768xi32, #tpu.memory_space<vmem>>, vector<16xi32>,
      %swap3A_53 = vector.shape_cast %swap3A_52 : vector<16xi32> to vector<16xi32>
      %swap3A_54 = vector.shape_cast %and3A_50 : vector<16xi32> to vector<16xi32>
      tpu.vector_store %arg4[%swap3A_51], %swap3A_54 {strides = array<i32>} : memref<32768xi32, #tpu.memory_space<vmem>>, vector<16xi32>,
      %mul3A_55 = arith.constant 128 : i32
      %mul3A_56 = arith.muli %scan3A_9, %mul3A_55 : i32
      %add3A_57 = arith.constant 32 : i32
      %add3A_58 = arith.addi %mul3A_56, %add3A_57 : i32
      %add3A_59 = arith.addi %mul3A_2, %add3A_58 : i32
      %add3A_60 = vector.broadcast %add3A_59 : i32 to vector<16xi32>
      %add3A_61 = arith.addi %iota3A, %add3A_60 : vector<16xi32>
      %shift_right_logical3A_62 = arith.constant 9 : i32
      %shift_right_logical3A_63 = vector.broadcast %shift_right_logical3A_62 : i32 to vector<16xi32>
      %shift_right_logical3A_64 = arith.shrui %add3A_61, %shift_right_logical3A_63 : vector<16xi32>
      %and3A_65 = arith.constant 511 : i32
      %and3A_66 = vector.broadcast %and3A_65 : i32 to vector<16xi32>
      %and3A_67 = arith.andi %shift_right_logical3A_64, %and3A_66 : vector<16xi32>
      %swap3A_68 = arith.index_cast %add3A_58 : i32 to index
      %swap3A_69 = tpu.vector_load %arg3[%swap3A_68] {strides = array<i32>} : memref<32768xi32, #tpu.memory_space<vmem>>, vector<16xi32>,
      %swap3A_70 = vector.shape_cast %swap3A_69 : vector<16xi32> to vector<16xi32>
      %swap3A_71 = vector.shape_cast %and3A_67 : vector<16xi32> to vector<16xi32>
      tpu.vector_store %arg3[%swap3A_68], %swap3A_71 {strides = array<i32>} : memref<32768xi32, #tpu.memory_space<vmem>>, vector<16xi32>,
      %and3A_72 = arith.constant 511 : i32
      %and3A_73 = vector.broadcast %and3A_72 : i32 to vector<16xi32>
      %and3A_74 = arith.andi %add3A_61, %and3A_73 : vector<16xi32>
      %swap3A_75 = arith.index_cast %add3A_58 : i32 to index
      %swap3A_76 = tpu.vector_load %arg4[%swap3A_75] {strides = array<i32>} : memref<32768xi32, #tpu.memory_space<vmem>>, vector<16xi32>,
      %swap3A_77 = vector.shape_cast %swap3A_76 : vector<16xi32> to vector<16xi32>
      %swap3A_78 = vector.shape_cast %and3A_74 : vector<16xi32> to vector<16xi32>
      tpu.vector_store %arg4[%swap3A_75], %swap3A_78 {strides = array<i32>} : memref<32768xi32, #tpu.memory_space<vmem>>, vector<16xi32>,
      %mul3A_79 = arith.constant 128 : i32
      %mul3A_80 = arith.muli %scan3A_9, %mul3A_79 : i32
      %add3A_81 = arith.constant 48 : i32
      %add3A_82 = arith.addi %mul3A_80, %add3A_81 : i32
      %add3A_83 = arith.addi %mul3A_2, %add3A_82 : i32
      %add3A_84 = vector.broadcast %add3A_83 : i32 to vector<16xi32>
      %add3A_85 = arith.addi %iota3A, %add3A_84 : vector<16xi32>
      %shift_right_logical3A_86 = arith.constant 9 : i32
      %shift_right_logical3A_87 = vector.broadcast %shift_right_logical3A_86 : i32 to vector<16xi32>
      %shift_right_logical3A_88 = arith.shrui %add3A_85, %shift_right_logical3A_87 : vector<16xi32>
      %and3A_89 = arith.constant 511 : i32
      %and3A_90 = vector.broadcast %and3A_89 : i32 to vector<16xi32>
      %and3A_91 = arith.andi %shift_right_logical3A_88, %and3A_90 : vector<16xi32>
      %swap3A_92 = arith.index_cast %add3A_82 : i32 to index
      %swap3A_93 = tpu.vector_load %arg3[%swap3A_92] {strides = array<i32>} : memref<32768xi32, #tpu.memory_space<vmem>>, vector<16xi32>,
      %swap3A_94 = vector.shape_cast %swap3A_93 : vector<16xi32> to vector<16xi32>
      %swap3A_95 = vector.shape_cast %and3A_91 : vector<16xi32> to vector<16xi32>
      tpu.vector_store %arg3[%swap3A_92], %swap3A_95 {strides = array<i32>} : memref<32768xi32, #tpu.memory_space<vmem>>, vector<16xi32>,
      %and3A_96 = arith.constant 511 : i32
      %and3A_97 = vector.broadcast %and3A_96 : i32 to vector<16xi32>
      %and3A_98 = arith.andi %add3A_85, %and3A_97 : vector<16xi32>
      %swap3A_99 = arith.index_cast %add3A_82 : i32 to index
      %swap3A_100 = tpu.vector_load %arg4[%swap3A_99] {strides = array<i32>} : memref<32768xi32, #tpu.memory_space<vmem>>, vector<16xi32>,
      %swap3A_101 = vector.shape_cast %swap3A_100 : vector<16xi32> to vector<16xi32>
      %swap3A_102 = vector.shape_cast %and3A_98 : vector<16xi32> to vector<16xi32>
      tpu.vector_store %arg4[%swap3A_99], %swap3A_102 {strides = array<i32>} : memref<32768xi32, #tpu.memory_space<vmem>>, vector<16xi32>,
      %mul3A_103 = arith.constant 128 : i32
      %mul3A_104 = arith.muli %scan3A_9, %mul3A_103 : i32
      %add3A_105 = arith.constant 64 : i32
      %add3A_106 = arith.addi %mul3A_104, %add3A_105 : i32
      %add3A_107 = arith.addi %mul3A_2, %add3A_106 : i32
      %add3A_108 = vector.broadcast %add3A_107 : i32 to vector<16xi32>
      %add3A_109 = arith.addi %iota3A, %add3A_108 : vector<16xi32>
      %shift_right_logical3A_110 = arith.constant 9 : i32
      %shift_right_logical3A_111 = vector.broadcast %shift_right_logical3A_110 : i32 to vector<16xi32>
      %shift_right_logical3A_112 = arith.shrui %add3A_109, %shift_right_logical3A_111 : vector<16xi32>
      %and3A_113 = arith.constant 511 : i32
      %and3A_114 = vector.broadcast %and3A_113 : i32 to vector<16xi32>
      %and3A_115 = arith.andi %shift_right_logical3A_112, %and3A_114 : vector<16xi32>
      %swap3A_116 = arith.index_cast %add3A_106 : i32 to index
      %swap3A_117 = tpu.vector_load %arg3[%swap3A_116] {strides = array<i32>} : memref<32768xi32, #tpu.memory_space<vmem>>, vector<16xi32>,
      %swap3A_118 = vector.shape_cast %swap3A_117 : vector<16xi32> to vector<16xi32>
      %swap3A_119 = vector.shape_cast %and3A_115 : vector<16xi32> to vector<16xi32>
      tpu.vector_store %arg3[%swap3A_116], %swap3A_119 {strides = array<i32>} : memref<32768xi32, #tpu.memory_space<vmem>>, vector<16xi32>,
      %and3A_120 = arith.constant 511 : i32
      %and3A_121 = vector.broadcast %and3A_120 : i32 to vector<16xi32>
      %and3A_122 = arith.andi %add3A_109, %and3A_121 : vector<16xi32>
      %swap3A_123 = arith.index_cast %add3A_106 : i32 to index
      %swap3A_124 = tpu.vector_load %arg4[%swap3A_123] {strides = array<i32>} : memref<32768xi32, #tpu.memory_space<vmem>>, vector<16xi32>,
      %swap3A_125 = vector.shape_cast %swap3A_124 : vector<16xi32> to vector<16xi32>
      %swap3A_126 = vector.shape_cast %and3A_122 : vector<16xi32> to vector<16xi32>
      tpu.vector_store %arg4[%swap3A_123], %swap3A_126 {strides = array<i32>} : memref<32768xi32, #tpu.memory_space<vmem>>, vector<16xi32>,
      %mul3A_127 = arith.constant 128 : i32
      %mul3A_128 = arith.muli %scan3A_9, %mul3A_127 : i32
      %add3A_129 = arith.constant 80 : i32
      %add3A_130 = arith.addi %mul3A_128, %add3A_129 : i32
      %add3A_131 = arith.addi %mul3A_2, %add3A_130 : i32
      %add3A_132 = vector.broadcast %add3A_131 : i32 to vector<16xi32>
      %add3A_133 = arith.addi %iota3A, %add3A_132 : vector<16xi32>
      %shift_right_logical3A_134 = arith.constant 9 : i32
      %shift_right_logical3A_135 = vector.broadcast %shift_right_logical3A_134 : i32 to vector<16xi32>
      %shift_right_logical3A_136 = arith.shrui %add3A_133, %shift_right_logical3A_135 : vector<16xi32>
      %and3A_137 = arith.constant 511 : i32
      %and3A_138 = vector.broadcast %and3A_137 : i32 to vector<16xi32>
      %and3A_139 = arith.andi %shift_right_logical3A_136, %and3A_138 : vector<16xi32>
      %swap3A_140 = arith.index_cast %add3A_130 : i32 to index
      %swap3A_141 = tpu.vector_load %arg3[%swap3A_140] {strides = array<i32>} : memref<32768xi32, #tpu.memory_space<vmem>>, vector<16xi32>,
      %swap3A_142 = vector.shape_cast %swap3A_141 : vector<16xi32> to vector<16xi32>
      %swap3A_143 = vector.shape_cast %and3A_139 : vector<16xi32> to vector<16xi32>
      tpu.vector_store %arg3[%swap3A_140], %swap3A_143 {strides = array<i32>} : memref<32768xi32, #tpu.memory_space<vmem>>, vector<16xi32>,
      %and3A_144 = arith.constant 511 : i32
      %and3A_145 = vector.broadcast %and3A_144 : i32 to vector<16xi32>
      %and3A_146 = arith.andi %add3A_133, %and3A_145 : vector<16xi32>
      %swap3A_147 = arith.index_cast %add3A_130 : i32 to index
      %swap3A_148 = tpu.vector_load %arg4[%swap3A_147] {strides = array<i32>} : memref<32768xi32, #tpu.memory_space<vmem>>, vector<16xi32>,
      %swap3A_149 = vector.shape_cast %swap3A_148 : vector<16xi32> to vector<16xi32>
      %swap3A_150 = vector.shape_cast %and3A_146 : vector<16xi32> to vector<16xi32>
      tpu.vector_store %arg4[%swap3A_147], %swap3A_150 {strides = array<i32>} : memref<32768xi32, #tpu.memory_space<vmem>>, vector<16xi32>,
      %mul3A_151 = arith.constant 128 : i32
      %mul3A_152 = arith.muli %scan3A_9, %mul3A_151 : i32
      %add3A_153 = arith.constant 96 : i32
      %add3A_154 = arith.addi %mul3A_152, %add3A_153 : i32
      %add3A_155 = arith.addi %mul3A_2, %add3A_154 : i32
      %add3A_156 = vector.broadcast %add3A_155 : i32 to vector<16xi32>
      %add3A_157 = arith.addi %iota3A, %add3A_156 : vector<16xi32>
      %shift_right_logical3A_158 = arith.constant 9 : i32
      %shift_right_logical3A_159 = vector.broadcast %shift_right_logical3A_158 : i32 to vector<16xi32>
      %shift_right_logical3A_160 = arith.shrui %add3A_157, %shift_right_logical3A_159 : vector<16xi32>
      %and3A_161 = arith.constant 511 : i32
      %and3A_162 = vector.broadcast %and3A_161 : i32 to vector<16xi32>
      %and3A_163 = arith.andi %shift_right_logical3A_160, %and3A_162 : vector<16xi32>
      %swap3A_164 = arith.index_cast %add3A_154 : i32 to index
      %swap3A_165 = tpu.vector_load %arg3[%swap3A_164] {strides = array<i32>} : memref<32768xi32, #tpu.memory_space<vmem>>, vector<16xi32>,
      %swap3A_166 = vector.shape_cast %swap3A_165 : vector<16xi32> to vector<16xi32>
      %swap3A_167 = vector.shape_cast %and3A_163 : vector<16xi32> to vector<16xi32>
      tpu.vector_store %arg3[%swap3A_164], %swap3A_167 {strides = array<i32>} : memref<32768xi32, #tpu.memory_space<vmem>>, vector<16xi32>,
      %and3A_168 = arith.constant 511 : i32
      %and3A_169 = vector.broadcast %and3A_168 : i32 to vector<16xi32>
      %and3A_170 = arith.andi %add3A_157, %and3A_169 : vector<16xi32>
      %swap3A_171 = arith.index_cast %add3A_154 : i32 to index
      %swap3A_172 = tpu.vector_load %arg4[%swap3A_171] {strides = array<i32>} : memref<32768xi32, #tpu.memory_space<vmem>>, vector<16xi32>,
      %swap3A_173 = vector.shape_cast %swap3A_172 : vector<16xi32> to vector<16xi32>
      %swap3A_174 = vector.shape_cast %and3A_170 : vector<16xi32> to vector<16xi32>
      tpu.vector_store %arg4[%swap3A_171], %swap3A_174 {strides = array<i32>} : memref<32768xi32, #tpu.memory_space<vmem>>, vector<16xi32>,
      %mul3A_175 = arith.constant 128 : i32
      %mul3A_176 = arith.muli %scan3A_9, %mul3A_175 : i32
      %add3A_177 = arith.constant 112 : i32
      %add3A_178 = arith.addi %mul3A_176, %add3A_177 : i32
      %add3A_179 = arith.addi %mul3A_2, %add3A_178 : i32
      %add3A_180 = vector.broadcast %add3A_179 : i32 to vector<16xi32>
      %add3A_181 = arith.addi %iota3A, %add3A_180 : vector<16xi32>
      %shift_right_logical3A_182 = arith.constant 9 : i32
      %shift_right_logical3A_183 = vector.broadcast %shift_right_logical3A_182 : i32 to vector<16xi32>
      %shift_right_logical3A_184 = arith.shrui %add3A_181, %shift_right_logical3A_183 : vector<16xi32>
      %and3A_185 = arith.constant 511 : i32
      %and3A_186 = vector.broadcast %and3A_185 : i32 to vector<16xi32>
      %and3A_187 = arith.andi %shift_right_logical3A_184, %and3A_186 : vector<16xi32>
      %swap3A_188 = arith.index_cast %add3A_178 : i32 to index
      %swap3A_189 = tpu.vector_load %arg3[%swap3A_188] {strides = array<i32>} : memref<32768xi32, #tpu.memory_space<vmem>>, vector<16xi32>,
      %swap3A_190 = vector.shape_cast %swap3A_189 : vector<16xi32> to vector<16xi32>
      %swap3A_191 = vector.shape_cast %and3A_187 : vector<16xi32> to vector<16xi32>
      tpu.vector_store %arg3[%swap3A_188], %swap3A_191 {strides = array<i32>} : memref<32768xi32, #tpu.memory_space<vmem>>, vector<16xi32>,
      %and3A_192 = arith.constant 511 : i32
      %and3A_193 = vector.broadcast %and3A_192 : i32 to vector<16xi32>
      %and3A_194 = arith.andi %add3A_181, %and3A_193 : vector<16xi32>
      %swap3A_195 = arith.index_cast %add3A_178 : i32 to index
      %swap3A_196 = tpu.vector_load %arg4[%swap3A_195] {strides = array<i32>} : memref<32768xi32, #tpu.memory_space<vmem>>, vector<16xi32>,
      %swap3A_197 = vector.shape_cast %swap3A_196 : vector<16xi32> to vector<16xi32>
      %swap3A_198 = vector.shape_cast %and3A_194 : vector<16xi32> to vector<16xi32>
      tpu.vector_store %arg4[%swap3A_195], %swap3A_198 {strides = array<i32>} : memref<32768xi32, #tpu.memory_space<vmem>>, vector<16xi32>,
    }
    %scan3A_7 = arith.constant 256 : i32
    %run_scoped3A = arith.constant 0 : i32
    "tpu.region"() ({
      %run_scoped3A_9 = tpu.sem_alloc : memref<!tpu.dma_semaphore, #tpu.memory_space<semaphore_mem>>
      %dma_start3A = tpu.memref_slice %arg2[%run_scoped3A, %mul3A_2] : memref<2x1048576xi32, #tpu.memory_space<hbm>> -> memref<1x32768xi32, #tpu.memory_space<hbm>>
      %dma_start3A_10 = tpu.memref_squeeze %dma_start3A : memref<1x32768xi32, #tpu.memory_space<hbm>> -> memref<32768xi32, #tpu.memory_space<hbm>>
      %dma_start3A_11 = tpu.memref_slice %arg2[%run_scoped3A, %mul3A_2] : memref<2x1048576xi32, #tpu.memory_space<hbm>> -> memref<1x32768xi32, #tpu.memory_space<hbm>>
      %dma_start3A_12 = tpu.memref_squeeze %dma_start3A_11 : memref<1x32768xi32, #tpu.memory_space<hbm>> -> memref<32768xi32, #tpu.memory_space<hbm>>
      tpu.enqueue_dma source(%arg3 : memref<32768xi32, #tpu.memory_space<vmem>>) target(%dma_start3A_12 : memref<32768xi32, #tpu.memory_space<hbm>>) target_semaphore(%run_scoped3A_9 : memref<!tpu.dma_semaphore, #tpu.memory_space<semaphore_mem>>)
      %dma_wait3A = tpu.memref_slice %arg2[%run_scoped3A, %mul3A_2] : memref<2x1048576xi32, #tpu.memory_space<hbm>> -> memref<1x32768xi32, #tpu.memory_space<hbm>>
      %dma_wait3A_13 = tpu.memref_squeeze %dma_wait3A : memref<1x32768xi32, #tpu.memory_space<hbm>> -> memref<32768xi32, #tpu.memory_space<hbm>>
      %dma_wait3A_14 = tpu.memref_slice %arg2[%run_scoped3A, %mul3A_2] : memref<2x1048576xi32, #tpu.memory_space<hbm>> -> memref<1x32768xi32, #tpu.memory_space<hbm>>
      %dma_wait3A_15 = tpu.memref_squeeze %dma_wait3A_14 : memref<1x32768xi32, #tpu.memory_space<hbm>> -> memref<32768xi32, #tpu.memory_space<hbm>>
      tpu.wait_dma2 semaphore(%run_scoped3A_9 : memref<!tpu.dma_semaphore, #tpu.memory_space<semaphore_mem>>) src(%arg3 : memref<32768xi32, #tpu.memory_space<vmem>>) dst(%dma_wait3A_15 : memref<32768xi32, #tpu.memory_space<hbm>>)
      tpu.yield
    }) : () -> ()
    %run_scoped3A_8 = arith.constant 1 : i32
    "tpu.region"() ({
      %run_scoped3A_9 = tpu.sem_alloc : memref<!tpu.dma_semaphore, #tpu.memory_space<semaphore_mem>>
      %dma_start3A = tpu.memref_slice %arg2[%run_scoped3A_8, %mul3A_2] : memref<2x1048576xi32, #tpu.memory_space<hbm>> -> memref<1x32768xi32, #tpu.memory_space<hbm>>
      %dma_start3A_10 = tpu.memref_squeeze %dma_start3A : memref<1x32768xi32, #tpu.memory_space<hbm>> -> memref<32768xi32, #tpu.memory_space<hbm>>
      %dma_start3A_11 = tpu.memref_slice %arg2[%run_scoped3A_8, %mul3A_2] : memref<2x1048576xi32, #tpu.memory_space<hbm>> -> memref<1x32768xi32, #tpu.memory_space<hbm>>
      %dma_start3A_12 = tpu.memref_squeeze %dma_start3A_11 : memref<1x32768xi32, #tpu.memory_space<hbm>> -> memref<32768xi32, #tpu.memory_space<hbm>>
      tpu.enqueue_dma source(%arg4 : memref<32768xi32, #tpu.memory_space<vmem>>) target(%dma_start3A_12 : memref<32768xi32, #tpu.memory_space<hbm>>) target_semaphore(%run_scoped3A_9 : memref<!tpu.dma_semaphore, #tpu.memory_space<semaphore_mem>>)
      %dma_wait3A = tpu.memref_slice %arg2[%run_scoped3A_8, %mul3A_2] : memref<2x1048576xi32, #tpu.memory_space<hbm>> -> memref<1x32768xi32, #tpu.memory_space<hbm>>
      %dma_wait3A_13 = tpu.memref_squeeze %dma_wait3A : memref<1x32768xi32, #tpu.memory_space<hbm>> -> memref<32768xi32, #tpu.memory_space<hbm>>
      %dma_wait3A_14 = tpu.memref_slice %arg2[%run_scoped3A_8, %mul3A_2] : memref<2x1048576xi32, #tpu.memory_space<hbm>> -> memref<1x32768xi32, #tpu.memory_space<hbm>>
      %dma_wait3A_15 = tpu.memref_squeeze %dma_wait3A_14 : memref<1x32768xi32, #tpu.memory_space<hbm>> -> memref<32768xi32, #tpu.memory_space<hbm>>
      tpu.wait_dma2 semaphore(%run_scoped3A_9 : memref<!tpu.dma_semaphore, #tpu.memory_space<semaphore_mem>>) src(%arg4 : memref<32768xi32, #tpu.memory_space<vmem>>) dst(%dma_wait3A_15 : memref<32768xi32, #tpu.memory_space<hbm>>)
      tpu.yield
    }) : () -> ()
    return
  }
}

module attributes {stable_mosaic.version = 14 : i64} {
  func.func @_gat_tile_kernel(%arg0: i32, %arg1: memref<512x64xf32, #tpu.memory_space<vmem>>, %arg2: memref<256x64xf32, #tpu.memory_space<vmem>>, %arg3: memref<512x256xf32, #tpu.memory_space<vmem>>, %arg4: memref<64x64xf32, #tpu.memory_space<vmem>>, %arg5: memref<1x64xf32, #tpu.memory_space<vmem>>, %arg6: memref<64x1xf32, #tpu.memory_space<vmem>>, %arg7: memref<1x64xf32, #tpu.memory_space<vmem>>, %arg8: memref<1x64xf32, #tpu.memory_space<vmem>>, %arg9: memref<1x64xf32, #tpu.memory_space<vmem>>, %arg10: memref<4x256x64xf32, #tpu.memory_space<vmem>>, %arg11: memref<512x256xf32, #tpu.memory_space<vmem>>) attributes {dimension_semantics = [#tpu.dimension_semantics<arbitrary>], iteration_bounds = array<i64: 2>, scalar_prefetch = 0 : i64, scratch_operands = 0 : i64, tpu.core_type = #tpu.core_type<tc>, window_params = [{pipeline_mode = #tpu.pipeline_mode<synchronous>, transform_indices = @transform_0, window_bounds = array<i64: 512, 64>}, {transform_indices = @transform_1, window_bounds = array<i64: 256, 64>}, {transform_indices = @transform_2, window_bounds = array<i64: 512, 256>}, {pipeline_mode = #tpu.pipeline_mode<synchronous>, transform_indices = @transform_3, window_bounds = array<i64: 64, 64>}, {pipeline_mode = #tpu.pipeline_mode<synchronous>, transform_indices = @transform_4, window_bounds = array<i64: 1, 64>}, {pipeline_mode = #tpu.pipeline_mode<synchronous>, transform_indices = @transform_5, window_bounds = array<i64: 64, 1>}, {pipeline_mode = #tpu.pipeline_mode<synchronous>, transform_indices = @transform_6, window_bounds = array<i64: 1, 64>}, {pipeline_mode = #tpu.pipeline_mode<synchronous>, transform_indices = @transform_7, window_bounds = array<i64: 1, 64>}, {pipeline_mode = #tpu.pipeline_mode<synchronous>, transform_indices = @transform_8, window_bounds = array<i64: 1, 64>}, {transform_indices = @transform_9, window_bounds = array<i64: 4, 256, 64>}, {transform_indices = @transform_10, window_bounds = array<i64: 512, 256>}]} {
    %get3A = arith.constant 0 : index
    %get3A_0 = arith.constant 0 : index
    %get3A_1 = vector.load %arg1[%get3A, %get3A_0] : memref<512x64xf32, #tpu.memory_space<vmem>>, vector<512x64xf32>
    %get3A_2 = arith.constant 0 : index
    %get3A_3 = arith.constant 0 : index
    %get3A_4 = vector.load %arg4[%get3A_2, %get3A_3] : memref<64x64xf32, #tpu.memory_space<vmem>>, vector<64x64xf32>
    %dot_general3A = arith.constant dense<0.000000e+00> : vector<512x64xf32>
    %dot_general3A_5 = tpu.matmul %get3A_1, %get3A_4, %dot_general3A {dimension_numbers = #tpu.dot_dimension_numbers<[1], [0], [0], [1], [0, 0, 1, 1], [], []>, transpose_lhs_hint = false} : vector<512x64xf32>, vector<64x64xf32>, vector<512x64xf32> -> vector<512x64xf32>
    %get3A_6 = arith.constant 0 : index
    %get3A_7 = arith.constant 0 : index
    %get3A_8 = vector.load %arg6[%get3A_6, %get3A_7] : memref<64x1xf32, #tpu.memory_space<vmem>>, vector<64x1xf32>
    %dot_general3A_9 = arith.constant dense<0.000000e+00> : vector<512x1xf32>
    %dot_general3A_10 = tpu.matmul %dot_general3A_5, %get3A_8, %dot_general3A_9 {dimension_numbers = #tpu.dot_dimension_numbers<[1], [0], [0], [1], [0, 0, 1, 1], [], []>, transpose_lhs_hint = false} : vector<512x64xf32>, vector<64x1xf32>, vector<512x1xf32> -> vector<512x1xf32>
    %get3A_11 = arith.constant 0 : index
    %get3A_12 = arith.constant 0 : index
    %get3A_13 = vector.load %arg2[%get3A_11, %get3A_12] : memref<256x64xf32, #tpu.memory_space<vmem>>, vector<256x64xf32>
    %get3A_14 = arith.constant 0 : index
    %get3A_15 = arith.constant 0 : index
    %get3A_16 = vector.load %arg4[%get3A_14, %get3A_15] : memref<64x64xf32, #tpu.memory_space<vmem>>, vector<64x64xf32>
    %dot_general3A_17 = arith.constant dense<0.000000e+00> : vector<256x64xf32>
    %dot_general3A_18 = tpu.matmul %get3A_13, %get3A_16, %dot_general3A_17 {dimension_numbers = #tpu.dot_dimension_numbers<[1], [0], [0], [1], [0, 0, 1, 1], [], []>, transpose_lhs_hint = false} : vector<256x64xf32>, vector<64x64xf32>, vector<256x64xf32> -> vector<256x64xf32>
    %get3A_19 = arith.constant 0 : index
    %get3A_20 = arith.constant 0 : index
    %get3A_21 = vector.load %arg7[%get3A_19, %get3A_20] : memref<1x64xf32, #tpu.memory_space<vmem>>, vector<1x64xf32>
    %dot_general3A_22 = arith.constant dense<0.000000e+00> : vector<1x256xf32>
    %dot_general3A_23 = tpu.matmul %get3A_21, %dot_general3A_18, %dot_general3A_22 {dimension_numbers = #tpu.dot_dimension_numbers<[1], [1], [0], [0], [0, 0, 1, 0], [], []>, transpose_lhs_hint = false} : vector<1x64xf32>, vector<256x64xf32>, vector<1x256xf32> -> vector<1x256xf32>
    %get3A_24 = arith.constant 0 : index
    %get3A_25 = arith.constant 0 : index
    %get3A_26 = vector.load %arg5[%get3A_24, %get3A_25] : memref<1x64xf32, #tpu.memory_space<vmem>>, vector<1x64xf32>
    %get3A_27 = arith.constant 0 : index
    %get3A_28 = arith.constant 0 : index
    %get3A_29 = vector.load %arg8[%get3A_27, %get3A_28] : memref<1x64xf32, #tpu.memory_space<vmem>>, vector<1x64xf32>
    %mul3A = arith.mulf %get3A_26, %get3A_29 : vector<1x64xf32>
    %reduce_sum3A = vector.shape_cast %mul3A : vector<1x64xf32> to vector<1x1x64xf32>
    %reduce_sum3A_30 = arith.constant dense<0.000000e+00> : vector<1xf32>
    %reduce_sum3A_31 = vector.multi_reduction <add>, %reduce_sum3A, %reduce_sum3A_30 [1, 2] : vector<1x1x64xf32> to vector<1xf32>
    %reduce_sum3A_32 = vector.shape_cast %reduce_sum3A_31 : vector<1xf32> to vector<1x1x1xf32>
    %reduce_sum3A_33 = vector.extract %reduce_sum3A_32[0, 0, 0] : f32 from vector<1x1x1xf32>
    %add3A = vector.broadcast %dot_general3A_10 : vector<512x1xf32> to vector<512x256xf32>
    %add3A_34 = vector.broadcast %dot_general3A_23 : vector<1x256xf32> to vector<512x256xf32>
    %add3A_35 = arith.addf %add3A, %add3A_34 : vector<512x256xf32>
    %get3A_36 = arith.constant 0 : index
    %get3A_37 = arith.constant 0 : index
    %get3A_38 = vector.load %arg3[%get3A_36, %get3A_37] : memref<512x256xf32, #tpu.memory_space<vmem>>, vector<512x256xf32>
    %mul3A_39 = vector.broadcast %reduce_sum3A_33 : f32 to vector<512x256xf32>
    %mul3A_40 = arith.mulf %mul3A_39, %get3A_38 : vector<512x256xf32>
    %add3A_41 = arith.addf %add3A_35, %mul3A_40 : vector<512x256xf32>
    %ge3A = arith.constant 0.000000e+00 : f32
    %ge3A_42 = vector.broadcast %ge3A : f32 to vector<512x256xf32>
    %ge3A_43 = arith.cmpf oge, %add3A_41, %ge3A_42 : vector<512x256xf32>
    %mul3A_44 = arith.constant 2.000000e-01 : f32
    %mul3A_45 = vector.broadcast %mul3A_44 : f32 to vector<512x256xf32>
    %mul3A_46 = arith.mulf %mul3A_45, %add3A_41 : vector<512x256xf32>
    %select_n3A = arith.select %ge3A_43, %add3A_41, %mul3A_46 : vector<512x256xi1>, vector<512x256xf32>
    %reduce_max3A = arith.constant dense<0xFF800000> : vector<256xf32>
    %reduce_max3A_47 = vector.multi_reduction <maximumf>, %select_n3A, %reduce_max3A [0] : vector<512x256xf32> to vector<256xf32>
    %broadcast_in_dim3A = vector.shape_cast %reduce_max3A_47 : vector<256xf32> to vector<1x256xf32>
    %sub3A = vector.broadcast %broadcast_in_dim3A : vector<1x256xf32> to vector<512x256xf32>
    %sub3A_48 = arith.subf %select_n3A, %sub3A : vector<512x256xf32>
    %exp3A = math.exp %sub3A_48 : vector<512x256xf32>
    %reduce_sum3A_49 = arith.constant dense<0.000000e+00> : vector<256xf32>
    %reduce_sum3A_50 = vector.multi_reduction <add>, %exp3A, %reduce_sum3A_49 [0] : vector<512x256xf32> to vector<256xf32>
    %broadcast_in_dim3A_51 = vector.shape_cast %reduce_sum3A_50 : vector<256xf32> to vector<1x256xf32>
    %mul3A_52 = arith.constant 4.000000e+00 : f32
    %mul3A_53 = vector.broadcast %mul3A_52 : f32 to vector<1x256xf32>
    %mul3A_54 = arith.mulf %mul3A_53, %broadcast_in_dim3A_51 : vector<1x256xf32>
    %add3A_55 = arith.constant 1.000000e-16 : f32
    %add3A_56 = vector.broadcast %add3A_55 : f32 to vector<1x256xf32>
    %add3A_57 = arith.addf %mul3A_54, %add3A_56 : vector<1x256xf32>
    %div3A = vector.broadcast %add3A_57 : vector<1x256xf32> to vector<512x256xf32>
    %div3A_58 = arith.divf %exp3A, %div3A : vector<512x256xf32>
    %dot_general3A_59 = arith.constant dense<0.000000e+00> : vector<256x64xf32>
    %dot_general3A_60 = tpu.matmul %div3A_58, %dot_general3A_5, %dot_general3A_59 {dimension_numbers = #tpu.dot_dimension_numbers<[0], [0], [1], [1], [0, 1, 1, 1], [], []>, transpose_lhs_hint = false} : vector<512x256xf32>, vector<512x64xf32>, vector<256x64xf32> -> vector<256x64xf32>
    %mul3A_61 = arith.constant 4.000000e+00 : f32
    %mul3A_62 = vector.broadcast %mul3A_61 : f32 to vector<256x64xf32>
    %mul3A_63 = arith.mulf %mul3A_62, %dot_general3A_60 : vector<256x64xf32>
    %get3A_64 = arith.constant 0 : index
    %get3A_65 = arith.constant 0 : index
    %get3A_66 = vector.load %arg9[%get3A_64, %get3A_65] : memref<1x64xf32, #tpu.memory_space<vmem>>, vector<1x64xf32>
    %add3A_67 = vector.broadcast %get3A_66 : vector<1x64xf32> to vector<256x64xf32>
    %add3A_68 = arith.addf %mul3A_63, %add3A_67 : vector<256x64xf32>
    %swap3A = arith.constant 0 : index
    %swap3A_69 = arith.constant 0 : index
    %swap3A_70 = arith.constant 0 : index
    %swap3A_71 = vector.load %arg10[%swap3A, %swap3A_69, %swap3A_70] : memref<4x256x64xf32, #tpu.memory_space<vmem>>, vector<1x256x64xf32>
    %swap3A_72 = vector.shape_cast %swap3A_71 : vector<1x256x64xf32> to vector<256x64xf32>
    %swap3A_73 = vector.shape_cast %add3A_68 : vector<256x64xf32> to vector<1x256x64xf32>
    tpu.vector_store %arg10[%swap3A, %swap3A_69, %swap3A_70], %swap3A_73 {strides = array<i32>} : memref<4x256x64xf32, #tpu.memory_space<vmem>>, vector<1x256x64xf32>,
    %get3A_74 = arith.constant 0 : index
    %get3A_75 = arith.constant 0 : index
    %get3A_76 = vector.load %arg9[%get3A_74, %get3A_75] : memref<1x64xf32, #tpu.memory_space<vmem>>, vector<1x64xf32>
    %broadcast_in_dim3A_77 = vector.shape_cast %get3A_76 : vector<1x64xf32> to vector<1x64xf32>
    %broadcast_in_dim3A_78 = vector.broadcast %broadcast_in_dim3A_77 : vector<1x64xf32> to vector<256x64xf32>
    %swap3A_79 = arith.constant 1 : index
    %swap3A_80 = arith.constant 0 : index
    %swap3A_81 = arith.constant 0 : index
    %swap3A_82 = vector.load %arg10[%swap3A_79, %swap3A_80, %swap3A_81] : memref<4x256x64xf32, #tpu.memory_space<vmem>>, vector<1x256x64xf32>
    %swap3A_83 = vector.shape_cast %swap3A_82 : vector<1x256x64xf32> to vector<256x64xf32>
    %swap3A_84 = vector.shape_cast %broadcast_in_dim3A_78 : vector<256x64xf32> to vector<1x256x64xf32>
    tpu.vector_store %arg10[%swap3A_79, %swap3A_80, %swap3A_81], %swap3A_84 {strides = array<i32>} : memref<4x256x64xf32, #tpu.memory_space<vmem>>, vector<1x256x64xf32>,
    %swap3A_85 = arith.constant 2 : index
    %swap3A_86 = arith.constant 0 : index
    %swap3A_87 = arith.constant 0 : index
    %swap3A_88 = vector.load %arg10[%swap3A_85, %swap3A_86, %swap3A_87] : memref<4x256x64xf32, #tpu.memory_space<vmem>>, vector<1x256x64xf32>
    %swap3A_89 = vector.shape_cast %swap3A_88 : vector<1x256x64xf32> to vector<256x64xf32>
    %swap3A_90 = vector.shape_cast %broadcast_in_dim3A_78 : vector<256x64xf32> to vector<1x256x64xf32>
    tpu.vector_store %arg10[%swap3A_85, %swap3A_86, %swap3A_87], %swap3A_90 {strides = array<i32>} : memref<4x256x64xf32, #tpu.memory_space<vmem>>, vector<1x256x64xf32>,
    %swap3A_91 = arith.constant 3 : index
    %swap3A_92 = arith.constant 0 : index
    %swap3A_93 = arith.constant 0 : index
    %swap3A_94 = vector.load %arg10[%swap3A_91, %swap3A_92, %swap3A_93] : memref<4x256x64xf32, #tpu.memory_space<vmem>>, vector<1x256x64xf32>
    %swap3A_95 = vector.shape_cast %swap3A_94 : vector<1x256x64xf32> to vector<256x64xf32>
    %swap3A_96 = vector.shape_cast %broadcast_in_dim3A_78 : vector<256x64xf32> to vector<1x256x64xf32>
    tpu.vector_store %arg10[%swap3A_91, %swap3A_92, %swap3A_93], %swap3A_96 {strides = array<i32>} : memref<4x256x64xf32, #tpu.memory_space<vmem>>, vector<1x256x64xf32>,
    %swap3A_97 = arith.constant 0 : index
    %swap3A_98 = arith.constant 0 : index
    %swap3A_99 = vector.load %arg11[%swap3A_97, %swap3A_98] : memref<512x256xf32, #tpu.memory_space<vmem>>, vector<512x256xf32>
    tpu.vector_store %arg11[%swap3A_97, %swap3A_98], %div3A_58 {strides = array<i32>} : memref<512x256xf32, #tpu.memory_space<vmem>>, vector<512x256xf32>,
    return
  }
  func.func @transform_0(%arg0: i32) -> (i32, i32) {
    %c0_i32 = arith.constant 0 : i32
    %c0_i32_0 = arith.constant 0 : i32
    %c0_i32_1 = arith.constant 0 : i32
    return %c0_i32, %c0_i32_0 : i32, i32
  }
  func.func @transform_1(%arg0: i32) -> (i32, i32) {
    %c0_i32 = arith.constant 0 : i32
    %c0_i32_0 = arith.constant 0 : i32
    return %arg0, %c0_i32 : i32, i32
  }
  func.func @transform_2(%arg0: i32) -> (i32, i32) {
    %c0_i32 = arith.constant 0 : i32
    %c0_i32_0 = arith.constant 0 : i32
    return %c0_i32, %arg0 : i32, i32
  }
  func.func @transform_3(%arg0: i32) -> (i32, i32) {
    %c0_i32 = arith.constant 0 : i32
    %c0_i32_0 = arith.constant 0 : i32
    %c0_i32_1 = arith.constant 0 : i32
    return %c0_i32, %c0_i32_0 : i32, i32
  }
  func.func @transform_4(%arg0: i32) -> (i32, i32) {
    %c0_i32 = arith.constant 0 : i32
    %c0_i32_0 = arith.constant 0 : i32
    %c0_i32_1 = arith.constant 0 : i32
    return %c0_i32, %c0_i32_0 : i32, i32
  }
  func.func @transform_5(%arg0: i32) -> (i32, i32) {
    %c0_i32 = arith.constant 0 : i32
    %c0_i32_0 = arith.constant 0 : i32
    %c0_i32_1 = arith.constant 0 : i32
    return %c0_i32, %c0_i32_0 : i32, i32
  }
  func.func @transform_6(%arg0: i32) -> (i32, i32) {
    %c0_i32 = arith.constant 0 : i32
    %c0_i32_0 = arith.constant 0 : i32
    %c0_i32_1 = arith.constant 0 : i32
    return %c0_i32, %c0_i32_0 : i32, i32
  }
  func.func @transform_7(%arg0: i32) -> (i32, i32) {
    %c0_i32 = arith.constant 0 : i32
    %c0_i32_0 = arith.constant 0 : i32
    %c0_i32_1 = arith.constant 0 : i32
    return %c0_i32, %c0_i32_0 : i32, i32
  }
  func.func @transform_8(%arg0: i32) -> (i32, i32) {
    %c0_i32 = arith.constant 0 : i32
    %c0_i32_0 = arith.constant 0 : i32
    %c0_i32_1 = arith.constant 0 : i32
    return %c0_i32, %c0_i32_0 : i32, i32
  }
  func.func @transform_9(%arg0: i32) -> (i32, i32, i32) {
    %c0_i32 = arith.constant 0 : i32
    %c0_i32_0 = arith.constant 0 : i32
    %c0_i32_1 = arith.constant 0 : i32
    return %c0_i32, %arg0, %c0_i32_0 : i32, i32, i32
  }
  func.func @transform_10(%arg0: i32) -> (i32, i32) {
    %c0_i32 = arith.constant 0 : i32
    %c0_i32_0 = arith.constant 0 : i32
    return %c0_i32, %arg0 : i32, i32
  }
}

</mosaic_0001>

<sc_bundles>
// kernel: kernel.4.cloned.1.call-start
scs
__scs_entry_jumppad:
0x0: {  	(pc) =	sbr.rel $0x88, $3  }
0x1: {  	(tag) =	ssettag $0x0;
	lr =	simm.s32 $0x1  }
0x2: {  	[smem:$0x3F99] =	sst lr;
	_ =	strace $0xD0000000  }
0x3: {  	_ = 	snop  }
0x4: {  	_ = 	snop  }
0x5: {  	_ = 	snop  }
0x6: {  	_ = 	snop  }
0x7: {  	_ = 	snop  }
__scs_overlays_trampoline_lowered:
0x8: {  	[smem:$0x3FA8] =	sst s0  }
0x9: {  	[smem:$0x3FA9] =	sst s1  }
0xa: {  	[smem:$0x3FAA] =	sst s2  }
0xb: {  	[smem:$0x3FAB] =	sst s3  }
0xc: {  	[smem:$0x3FAC] =	sst s4  }
0xd: {  	[smem:$0x3FAD] =	sst s5  }
0xe: {  	[smem:$0x3FAE] =	sst s6  }
0xf: {  	[smem:$0x3FAF] =	sst s7  }
0x10: {  	[smem:$0x3FB0] =	sst s8  }
0x11: {  	[smem:$0x3FB1] =	sst s9;
	s0 =	simm.s32 @!p0 $0x0  }
0x12: {  	s1 =	sld [smem:$0x3F97];
	s0 =	simm.s32 @p0 $0x1  }
0x13: {  	[smem:$0x3FB2] =	sst s0;
	s0 =	simm.s32 @!p1 $0x0  }
0x14: {  	s2 =	sld [smem:$0x3F96];
	s0 =	simm.s32 @p1 $0x1  }
0x15: {  	[smem:$0x3FB3] =	sst s0;
	s0 =	simm.s32 @!p2 $0x0  }
0x16: {  	s3 =	sld [smem:$0x3FDB];
	s0 =	simm.s32 @p2 $0x1  }
0x17: {  	s4 =	simm.s32 $0x1BF5;
	[smem:$0x3FB5] =	sst s0  }
0x18: {  	s0 =	sld [smem:$0x3F98];
	_ =	swait.ge [sflag:s4], $0x0  }
0x19: {  	s7 =	sld [smem:$0x3F99]  }
0x1a: {  	s8 =	sadd.s32 $0xFFFFE003, lr  }
0x1b: {  	s9 =	sadd.s32 $0xFFFFFEF7, lr;
	s5 =	simm.s32 $0xFFFFFFFF;
	p2 =	slt.u32 s8, $0xFFFFF086  }
0x1c: {  	p1 =	slt.u32 s9, $0xF7A;
	s5 =	simm.s32 @!p2 $0x0  }
0x1d: {  	s5 =	simm.s32 @p1 $0x1;
	p0 =	seq.s32 s7, s2  }
0x1e: {  	s7 =	smul.u32 @!p0 $0xF7A, s2;
	p2 =	seq.s32 @!p0 s5, $0x0  }
0x1f: {  	s9 =	smul.u32 $0xF7A, s1;
	s8 =	simm.s32 @!p0 $0x1BF5;
	p2 =	por !p2, p0  }
0x20: {  	[sflag:s8] =	ssyncset.s32 @!p0 $0xFFFFF086;
	s6 =	sadd.s32 @!p0 s3, s7;
	s7 =	simm.s32 @!p0 $0x108  }
0x21: {  	s3 =	sadd.s32 s3, s9;
	s6 =	sadd.s32 @!p0 $0x88, s6;
	s7 =	simm.s32 @p2 $0x1082  }
0x22: {  	[simem:s7], [sflag:s8] =	dma.local @!p0 [hbm:s6], $0xF7A  }
0x23: {  	s9 =	sor.u32 $0xD0000000, s2;
	s6 =	simm.s32 $0x108;
	_ =	swait.ge @!p0 [sflag:s8], $0x0  }
0x24: {  	s3 =	sadd.s32 $0x88, s3;
	s6 =	simm.s32 @!p1 $0x1082;
	[sflag:s4] =	ssyncset.s32 $0xFFFFF086  }
0x25: {  	[simem:s6], [sflag:s4] =	dma.local [hbm:s3], $0xF7A  }
0x26: {  	[smem:$0x3F99] =	sst s1;
	(tag) =	ssettag s2;
	_ =	strace s9  }
0x27: {  	s1 =	sld [smem:$0x3FA9]  }
0x28: {  	s2 =	sld [smem:$0x3FAA]  }
0x29: {  	s4 =	sld [smem:$0x3FAC]  }
0x2a: {  	p0 =	seq.s32 s5, $0x0;
	s5 =	sld [smem:$0x3FAD]  }
0x2b: {  	s6 =	sld [smem:$0x3FAE]  }
0x2c: {  	s7 =	sld [smem:$0x3FAF]  }
0x2d: {  	s3 =	simm.s32 $0x108;
	s8 =	sld [smem:$0x3FB0]  }
0x2e: {  	s3 =	simm.s32 @!p0 $0x1082;
	s9 =	sld [smem:$0x3FB1]  }
0x2f: {  	lr =	sadd.s32 s0, s3;
	s0 =	sld [smem:$0x3FA8]  }
0x30: {  	s3 =	sld [smem:$0x3FAB]  }
0x31: {  	[smem:$0x3FB4] =	sst s10  }
0x32: {  	s10 =	sld [smem:$0x3FB2];
	_ =	sdelay $0x3  }
0x33: {  	p0 =	seq.s32 s10, $0x1;
	s10 =	sld [smem:$0x3FB4];
	_ =	sdelay $0x3  }
0x34: {  	[smem:$0x3FB4] =	sst s10  }
0x35: {  	s10 =	sld [smem:$0x3FB3];
	_ =	sdelay $0x3  }
0x36: {  	p1 =	seq.s32 s10, $0x1;
	s10 =	sld [smem:$0x3FB4];
	_ =	sdelay $0x3  }
0x37: {  	[smem:$0x3FB4] =	sst s10  }
0x38: {  	s10 =	sld [smem:$0x3FB5]  }
0x39: {  	_ = 	snop;
	(pc) =	sbr.ind lr, $3  }
0x3a: {  	_ = 	snop  }
0x3b: {  	_ = 	snop  }
0x3c: {  	p2 =	seq.s32 s10, $0x1;
	s10 =	sld [smem:$0x3FB4]  }
0x3d: {  	_ =	shalt  }
0x3e: {  	_ =	shalt  }
0x3f: {  	_ =	shalt  }
0x40: {  	_ =	shalt  }
0x41: {  	_ =	shalt  }
0x42: {  	_ =	shalt  }
0x43: {  	_ =	shalt  }
0x44: {  	_ =	shalt  }
0x45: {  	_ =	shalt  }
0x46: {  	_ =	shalt  }
0x47: {  	_ =	shalt  }
0x48: {  	_ =	shalt  }
0x49: {  	_ =	shalt  }
0x4a: {  	_ =	shalt  }
0x4b: {  	_ =	shalt  }
0x4c: {  	_ =	shalt  }
0x4d: {  	_ =	shalt  }
0x4e: {  	_ =	shalt  }
0x4f: {  	_ =	shalt  }
0x50: {  	_ =	shalt  }
0x51: {  	_ =	shalt  }
0x52: {  	_ =	shalt  }
0x53: {  	_ =	shalt  }
0x54: {  	_ =	shalt  }
0x55: {  	_ =	shalt  }
0x56: {  	_ =	shalt  }
0x57: {  	_ =	shalt  }
0x58: {  	_ =	shalt  }
0x59: {  	_ =	shalt  }
0x5a: {  	_ =	shalt  }
0x5b: {  	_ =	shalt  }
0x5c: {  	_ =	shalt  }
0x5d: {  	_ =	shalt  }
0x5e: {  	_ =	shalt  }
0x5f: {  	_ =	shalt  }
0x60: {  	_ =	shalt  }
0x61: {  	_ =	shalt  }
0x62: {  	_ =	shalt  }
0x63: {  	_ =	shalt  }
0x64: {  	_ =	shalt  }
0x65: {  	_ =	shalt  }
0x66: {  	_ =	shalt  }
0x67: {  	_ =	shalt  }
0x68: {  	_ =	shalt  }
0x69: {  	_ =	shalt  }
0x6a: {  	_ =	shalt  }
0x6b: {  	_ =	shalt  }
0x6c: {  	_ =	shalt  }
0x6d: {  	_ =	shalt  }
0x6e: {  	_ =	shalt  }
0x6f: {  	_ =	shalt  }
0x70: {  	_ =	shalt  }
0x71: {  	_ =	shalt  }
0x72: {  	_ =	shalt  }
0x73: {  	_ =	shalt  }
0x74: {  	_ =	shalt  }
0x75: {  	_ =	shalt  }
0x76: {  	_ =	shalt  }
0x77: {  	_ =	shalt  }
0x78: {  	_ =	shalt  }
0x79: {  	_ =	shalt  }
0x7a: {  	_ =	shalt  }
0x7b: {  	_ =	shalt  }
0x7c: {  	_ =	shalt  }
0x7d: {  	_ =	shalt  }
0x7e: {  	_ =	shalt  }
0x7f: {  	_ =	shalt  }
0x80: {  	_ =	shalt  }
0x81: {  	_ =	shalt  }
0x82: {  	_ =	shalt  }
0x83: {  	_ =	shalt  }
0x84: {  	_ =	shalt  }
0x85: {  	_ =	shalt  }
0x86: {  	_ =	shalt  }
0x87: {  	_ =	shalt  }
.Lfunc_end0:
.L_simem_size_0:
called_computation_lowered:
.L_overlay_start_0:
0x88: {  	s2 =	sld [smem:$0x3FD9]  }
0x89: {  	s3 =	sld [smem:$0x3FFE];
	_ =	sdelay $0x1  }
0x8a: {  	s1 =	srdreg.scid  }
0x8b: {  	s0 =	sand.u32 $0x1, s1  }
0x8c: {  	s15 =	sshll.u32 s0, $0xA;
	s2 =	sadd.s32 s3, s2  }
0x8d: {  	s2 =	sadd.s32 s2, s15  }
0x8e: {  	[smem:$0x3FC0] =	sst s2  }
0x8f: {  	_ = 	snop  }
0x90: {  	s2 =	sld [smem:$0x3FD0];
	_ =	sdelay $0x2  }
0x91: {  	s16 =	simm.s32 $0xA;
	s4 =	simm.s32 $0x10  }
0x92: {  	[smem:s4], [sflag:s16] =	dma.local [hbm:s2], $0x1  }
0x93: {  	_ =	swait.eq [sflag:s16], $0x1  }
0x94: {  	[sflag:s16] =	ssyncset.done $0x0  }
0x95: {  	[sflag:s16] =	ssyncadd.s32 $0xFFFFFFFF  }
0x96: {  	s17 =	sld [smem:$0x11];
	(tm) =	ssettm $0x1  }
0x97: {  	s18 =	sld [smem:$0x3FFB];
	_ =	sdelay $0x3  }
0x98: {  	_ =	strace s18  }
0x99: {  	s3 =	sld [smem:$0x3FFC];
	_ =	sdelay $0x3  }
0x9a: {  	_ =	strace s3  }
0x9b: {  	s3 =	sld [smem:$0x3FFD];
	_ =	sdelay $0x3  }
0x9c: {  	_ =	strace s3  }
0x9d: {  	_ =	strace $0x8FFFFFFF  }
0x9e: {  	s19 =	sld [smem:$0x3FDB];
	_ =	sdelay $0x1  }
0x9f: {  	s20 =	simm.s32 $_scs_section_size  }
0xa0: {  	s5 =	simm.s32 $_size__tile_overlayer_lowered;
	s6 =	simm.s32 $_tile_overlayer_lowered  }
0xa1: {  	s23 =	simm.s32 $0x1BFF;
	s22 =	sshll.u32 s6, $0x1;
	s3 =	sadd.s32 s20, s19  }
0xa2: {  	s7 =	simm.s32 $0x0;
	s21 =	sshll.u32 s5, $0x1;
	s5 =	sadd.s32 s22, s3  }
0xa3: {  	[timem:s7], [sflag:s23] =	dma.local [hbm:s5], s21  }
0xa4: {  	_ =	swait.ge [sflag:s23], s21  }
0xa5: {  	s4 =	ssub.s32 $0x0, s21;
	[sflag:s23] =	ssyncset.done $0x0  }
0xa6: {  	[sflag:s23] =	ssyncadd.s32 s4;
	_ =	sdelay $0x1  }
0xa7: {  	s24 =	simm.s32 $0x1B8B  }
0xa8: {  	_ =	swait.ge [sflag:s24], $0x1  }
0xa9: {  	[sflag:s24] =	ssyncset.done $0x0  }
0xaa: {  	s25 =	simm.s32 $0x1B8E;
	[sflag:s24] =	ssyncadd.s32 $0xFFFFFFFF  }
0xab: {  	s26 =	simm.s32 $execute0_lowered;
	[smem:$0x3FD2] =	sst s25  }
0xac: {  	s4 =	sshll.u32 s26, $0x1;
	_ =	strace $0x80000046;
	[dreg:$0x1] =	wrdreg $0xFFFFFFFF  }
0xad: {  	s28 =	simm.s32 $_size_execute0_lowered;
	s3 =	sadd.s32 s3, s4;
	[dreg:$0x0] =	wrdreg $0x0  }
0xae: {  	s4 =	sshll.u32 s28, $0x1;
	[dreg:$0x2] =	wrdreg s3  }
0xaf: {  	[dreg:$0x3] =	wrdreg s4  }
0xb0: {  	[dreg:$0x4] =	wrdreg $0xC0  }
0xb1: {  	_ =	task [dreg:s7], $0x5FFFF  }
0xb2: {  	[dreg:$0x1] =	wrdreg $0xFFFFFFFF  }
0xb3: {  	[dreg:$0x0] =	wrdreg $0x60  }
0xb4: {  	[dreg:$0x2] =	wrdreg s17  }
0xb5: {  	[dreg:$0x3] =	wrdreg $0x9  }
0xb6: {  	_ =	task.clear_ibuf [dreg:s7], $0x4FFFF;
	_ =	strace $0x90000046  }
0xb7: {  	s29 =	simm.s32 $0x9;
	_ =	strace $0x80000048  }
0xb8: {  	_ =	swait.ge [sflag:s29], $0x1  }
0xb9: {  	[sflag:s29] =	ssyncadd.s32 $0xFFFFFFFF  }
0xba: {  	_ =	strace $0x90000048  }
0xbb: {  	_ =	sfence  }
0xbc: {  	s30 =	sld [smem:$0x0];
	_ =	sdelay $0x2  }
0xbd: {  	s31 =	sshll.u32 s1, $0xD;
	s1 =	sshrl.u32 s1, $0x2  }
0xbe: {  	s3 =	sand.u32 $0x4000, s31;
	s1 =	sadd.s32 s1, s30  }
0xbf: {  	s0 =	sor.u32 s3, s0;
	s1 =	sshll.u32 s1, $0x11  }
0xc0: {  	s0 =	sor.u32 s1, s0  }
0xc1: {  	s0 =	sadd.s32 $0x8F2B, s0  }
0xc2: {  	[sflag:s0] =	ssyncadd.remote.s32 $0x1  }
0xc3: {  	_ =	sfence.sel $0xFFFF  }
0xc4: {  	[dreg:$0x0] =	wrdreg $0xFFFFFFFF;
	(pc) =	sbr.abs _section_cstart, $3  }
0xc5: {  	[dreg:$0x1] =	wrdreg $0xFFFFFFFF  }
0xc6: {  	_ =	task.clear_ibuf [dreg:s7], $0x2FFFF;
	_ =	strace $0x9FFFFFFF  }
0xc7: {  	(tm) =	ssettm $0x7FFFFFFF  }
tec
execute0_lowered:
.L_overlay_start_1:
0x0: {  	(tag) =	ssettag $0x1  }
0x1: {  	s1 =	srdreg.scid;
	s0 =	stileid.u32  }
0x2: {  	s5 =	rddreg [dreg:$0x0];
	s8 =	simm.s32 $0x100;
	s9 =	simm.s32 $0x1  }
0x3: {  	s10 =	simm.s32 $0x8000;
	s11 =	simm.s32 $0x0;
	s4 =	sand.u32 $0x1, s1  }
0x4: {  	s2 =	sshll.u32 s0, $0x10;
	s1 =	rddreg [dreg:$0x1];
	s3 =	sshll.u32 s4, $0xF  }
0x5: {  	s6 =	ssub.s32 $0x2, s4;
	s2 =	sor.u32 s3, s2;
	s3 =	simm.s32 $0x0  }
0x6: {  	s7 =	sshrl.u32 s6, $0x1;
	s31 =	sshrl.u32 s2, $0x2;
	[smem:$0x7FF] =	sst s3  }
0x7: {  	s6 =	ssub.s32 s6, s7;
	s7 =	simm.s32 $0x80;
	s4 =	sadd.s32 s5, s31  }
0x8: {  	v0 =	vlaneseq.u32;
	_ =	strace $0x80000047;
	s6 =	smax.u32 s6, $0x1;
	s5 =	sadd.s32 $0x10, s4  }
.LBB2_1:
0x9: {  	s14 =	sadd.s32 $0x0, s2  }
0xa: {  	v1 =	vmov s14  }
0xb: {  	s15 =	sadd.s32 $0x10, s14;
	v1 =	vshrl.u32 v1, $0x9  }
0xc: {  	s12 =	simm.s32 $0x40;
	v2 =	vor.u32 s14, v0;
	v3 =	vmov s15;
	v1 =	vand.u32 $0x1FF, v1  }
0xd: {  	s13 =	simm.s32 $0x8040;
	s16 =	sadd.s32 $0x20, s14;
	[tilespmem:s12+$0xFFFFFFC0] =	vst v1;
	v1 =	vand.u32 $0x18F, v2;
	v2 =	vshrl.u32 v3, $0x9  }
0xe: {  	v3 =	vmov s16;
	[tilespmem:s13+$0xFFFFFFC0] =	vst v1;
	v1 =	vor.u32 s15, v0;
	v2 =	vand.u32 $0x1FF, v2  }
0xf: {  	s29 =	sadd.s32 $0x30, s14;
	[tilespmem:s12+$0xFFFFFFD0] =	vst v2;
	v1 =	vand.u32 $0x19F, v1;
	v2 =	vshrl.u32 v3, $0x9  }
0x10: {  	v3 =	vmov s29;
	[tilespmem:s13+$0xFFFFFFD0] =	vst v1;
	v1 =	vor.u32 s16, v0;
	v2 =	vand.u32 $0x1FF, v2  }
0x11: {  	s30 =	sadd.s32 $0x40, s14;
	[tilespmem:s12+$0xFFFFFFE0] =	vst v2;
	v1 =	vand.u32 $0x1AF, v1;
	v2 =	vshrl.u32 v3, $0x9  }
0x12: {  	v3 =	vmov s30;
	[tilespmem:s13+$0xFFFFFFE0] =	vst v1;
	v1 =	vor.u32 s29, v0;
	v2 =	vand.u32 $0x1FF, v2  }
0x13: {  	s31 =	sadd.s32 $0x50, s14;
	[tilespmem:s12+$0xFFFFFFF0] =	vst v2;
	v1 =	vand.u32 $0x1BF, v1;
	v2 =	vshrl.u32 v3, $0x9  }
0x14: {  	v3 =	vmov s31;
	[tilespmem:s13+$0xFFFFFFF0] =	vst v1;
	v1 =	vor.u32 s30, v0;
	v2 =	vand.u32 $0x1FF, v2  }
0x15: {  	s16 =	sadd.s32 $0x60, s14;
	[tilespmem:s12+$0x0] =	vst v2;
	v1 =	vand.u32 $0x1CF, v1;
	v2 =	vshrl.u32 v3, $0x9  }
0x16: {  	v3 =	vmov s16;
	[tilespmem:s13+$0x0] =	vst v1;
	v1 =	vor.u32 s31, v0;
	v2 =	vand.u32 $0x1FF, v2  }
0x17: {  	s17 =	sadd.s32 $0x70, s14;
	s14 =	simm.s32 $0x80;
	[tilespmem:s12+$0x10] =	vst v2;
	v2 =	vand.u32 $0x1DF, v1;
	v1 =	vshrl.u32 v3, $0x9  }
.LBB2_2:
0x18: {  	p0 =	sne.s32 s14, $0x7F80;
	[tilespmem:s13+$0x10] =	vst v2;
	v2 =	vor.u32 s16, v0;
	v1 =	vand.u32 $0x1FF, v1;
	v3 =	vmov s17  }
0x19: {  	s15 =	sadd.s32 s14, s2;
	[tilespmem:s12+$0x20] =	vst v1;
	v1 =	vand.u32 $0x1EF, v2;
	v2 =	vshrl.u32 v3, $0x9  }
0x1a: {  	v3 =	vmov s15;
	[tilespmem:s13+$0x20] =	vst v1;
	v1 =	vor.u32 s17, v0;
	v2 =	vand.u32 $0x1FF, v2  }
0x1b: {  	s16 =	sadd.s32 $0x10, s15;
	v3 =	vshrl.u32 v3, $0x9;
	[tilespmem:s12+$0x30] =	vst v2;
	v1 =	vand.u32 $0x1FF, v1  }
0x1c: {  	v4 =	vmov s16;
	v2 =	vor.u32 s15, v0;
	v3 =	vand.u32 $0x1FF, v3;
	s12 =	sadd.s32 $0x80, s12;
	[tilespmem:s13+$0x30] =	vst v1  }
0x1d: {  	s17 =	sadd.s32 $0x20, s15;
	v1 =	vand.u32 $0x18F, v2;
	v2 =	vshrl.u32 v4, $0x9;
	s13 =	sadd.s32 $0x80, s13;
	[tilespmem:s12+$0xFFFFFFC0] =	vst v3  }
0x1e: {  	v2 =	vand.u32 $0x1FF, v2;
	v3 =	vmov s17;
	[tilespmem:s13+$0xFFFFFFC0] =	vst v1;
	v1 =	vor.u32 s16, v0  }
0x1f: {  	s16 =	sadd.s32 $0x30, s15;
	[tilespmem:s12+$0xFFFFFFD0] =	vst v2;
	v1 =	vand.u32 $0x19F, v1;
	v2 =	vshrl.u32 v3, $0x9  }
0x20: {  	v3 =	vmov s16;
	[tilespmem:s13+$0xFFFFFFD0] =	vst v1;
	v1 =	vor.u32 s17, v0;
	v2 =	vand.u32 $0x1FF, v2  }
0x21: {  	s17 =	sadd.s32 $0x40, s15;
	[tilespmem:s12+$0xFFFFFFE0] =	vst v2;
	v1 =	vand.u32 $0x1AF, v1;
	v2 =	vshrl.u32 v3, $0x9  }
0x22: {  	v3 =	vmov s17;
	[tilespmem:s13+$0xFFFFFFE0] =	vst v1;
	v1 =	vor.u32 s16, v0;
	v2 =	vand.u32 $0x1FF, v2  }
.Ltmp0:
0x23: {  	s18 =	sadd.s32 $0x50, s15;
	[tilespmem:s12+$0xFFFFFFF0] =	vst v2;
	v1 =	vand.u32 $0x1BF, v1;
	v2 =	vshrl.u32 v3, $0x9;
	(pc) =	sbr.rel @p0 .LBB2_2-.Ltmp0, $4  }
0x24: {  	v3 =	vmov s18;
	[tilespmem:s13+$0xFFFFFFF0] =	vst v1;
	v1 =	vor.u32 s17, v0;
	v2 =	vand.u32 $0x1FF, v2  }
0x25: {  	s16 =	sadd.s32 $0x60, s15;
	[tilespmem:s12+$0x0] =	vst v2;
	v1 =	vand.u32 $0x1CF, v1;
	v2 =	vshrl.u32 v3, $0x9  }
0x26: {  	v3 =	vmov s16;
	[tilespmem:s13+$0x0] =	vst v1;
	v1 =	vor.u32 s18, v0;
	v2 =	vand.u32 $0x1FF, v2  }
0x27: {  	s14 =	sadd.s32 $0x80, s14;
	s17 =	sadd.s32 $0x70, s15;
	[tilespmem:s12+$0x10] =	vst v2;
	v2 =	vand.u32 $0x1DF, v1;
	v1 =	vshrl.u32 v3, $0x9  }
0x28: {  	[tilespmem:s13+$0x10] =	vst v2;
	v2 =	vor.u32 s16, v0;
	v1 =	vand.u32 $0x1FF, v1;
	v3 =	vmov s17  }
0x29: {  	[tilespmem:s12+$0x20] =	vst v1;
	v1 =	vand.u32 $0x1EF, v2;
	v2 =	vshrl.u32 v3, $0x9  }
0x2a: {  	[tilespmem:s13+$0x20] =	vst v1;
	v1 =	vor.u32 s17, v0;
	v2 =	vand.u32 $0x1FF, v2  }
0x2b: {  	[tilespmem:s12+$0x30] =	vst v2;
	v1 =	vand.u32 $0x1FF, v1  }
0x2c: {  	[tilespmem:s13+$0x30] =	vst v1  }
0x2d: {  	[hbm4b:s4+s7] =	stream.strided.scatter [tilespmem:s3], [sflag:$0x1], $0x8000, s8, s7, $0x38;
	[tilespmem:$0x10000] =	vst v63  }
0x2e: {  	s11 =	sadd.s32 $0x1, s11;
	_ =	swait.ge [sflag:s9], $0x8000  }
0x2f: {  	p0 =	sne.s32 s11, s6;
	[sflag:s9] =	ssyncset.done $0x0  }
.Ltmp1:
0x30: {  	[sflag:s9] =	ssyncadd.s32 $0xFFFF8000;
	(pc) =	sbr.rel @p0 .LBB2_1-.Ltmp1, $4  }
0x31: {  	[hbm4b:s5+s7] =	stream.strided.scatter [tilespmem:s10], [sflag:$0x1], $0x8000, s8, s7, $0x38;
	[tilespmem:$0x10000] =	vst v63  }
0x32: {  	_ =	swait.ge [sflag:s9], $0x8000  }
0x33: {  	[sflag:s9] =	ssyncset.done $0x0  }
0x34: {  	[sflag:s9] =	ssyncadd.s32 $0xFFFF8000  }
0x35: {  	_ =	sfence.sel $0x180000  }
0x36: {  	[bflag:$0x0] =	sbarrier.arrive $0xFFFF  }
0x37: {  	p0 =	sne.s32 s0, $0x0;
	_ =	strace $0x90000047  }
0x38: {  	s0 =	sadd.s32 @!p0 $0x100000, s1;
	[bflag:$0x2] =	sbarrier.arrive $0xFFFF  }
0x39: {  	[sflag:s0] =	ssyncadd.tile.s32 @!p0 $0x1;
	_ =	shalt  }
.Lfunc_end2:
_tile_overlayer_lowered:
.L_overlay_start_2:
0x3a: {  	(tag) =	ssettag $0x2  }
0x3b: {  	s0 =	rddreg [dreg:$0x0];
	s2 =	stileid.u32  }
0x3c: {  	s1 =	rddreg [dreg:$0x1];
	p0 =	sne.s32 s2, $0x0  }
0x3d: {  	s3 =	rddreg [dreg:$0x2];
	[bflag:$0x3] =	sbarrier.arrive $0xFFFF;
	s2 =	simm.s32 @!p0 $0x1C01  }
0x3e: {  	[timem:s3], [sflag:s2] =	dma.local @!p0 [hbm:s0], s1  }
0x3f: {  	s0 =	simm.s32 @!p0 $0x1  }
0x40: {  	_ =	swait.ge @!p0 [sflag:s0], s1  }
0x41: {  	s1 =	ssub.s32 @!p0 $0x0, s1;
	[sflag:s0] =	ssyncset.done @!p0 $0x0  }
0x42: {  	[sflag:s0] =	ssyncadd.s32 @!p0 s1  }
0x43: {  	[bflag:$0x3] =	sbarrier.arrive $0xFFFF  }
0x44: {  	_ =	shalt  }

</sc_bundles>
